<compile_context>
chip_gen: v7x
topology: tpu7x:2x2x1
jax: 0.10.2.dev20260603
libtpu: 0.0.44.dev20260713+nightly
codegen_flags: <defaults>
</compile_context>

<pallas_src>
import functools

import jax
import jax.numpy as jnp
from jax.experimental import pallas as pl
from jax.experimental.pallas import tpu as pltpu
from jax.experimental.pallas import tpu_sc as plsc

_smesh = plsc.ScalarSubcoreMesh(axis_name="c", num_cores=1)


@functools.partial(
    pl.kernel,
    mesh=_smesh,
    out_type=jax.ShapeDtypeStruct((64,), jnp.float32),
    scratch_types=[
        pltpu.SMEM((64,), jnp.float32),
        pltpu.SMEM((64,), jnp.float32),
        pltpu.SMEM((64,), jnp.float32),
        pltpu.SemaphoreType.DMA,
    ],
)
def _sub_scs(a_hbm, b_hbm, out_hbm, a_s, b_s, o_s, sem):
    cp_a = pltpu.async_copy(a_hbm, a_s, sem)
    cp_b = pltpu.async_copy(b_hbm, b_s, sem)
    cp_a.wait()
    cp_b.wait()
    for i in range(64):
        o_s[i] = a_s[i] - b_s[i]
    pltpu.sync_copy(o_s, out_hbm)


@jax.jit
def kernel(a, b, c):
    del c
    return _sub_scs(a, b)

# --- scband reference (transcript-rebuilt; emitter-appended) ---
"""Pipeline reference for scband-my-model-87522843560060 (READ-ONLY COPY).

The authoritative reference and input builder live on the scoring server;
editing this copy changes nothing except your own understanding.
"""

import jax, jax.numpy as jnp
import numpy as np


def setup_inputs(seed: int = 0) -> dict:
    key = jax.random.key(seed)
    k1, k2 = jax.random.split(key, 2)
    a = jax.random.normal(k1, (64,), dtype=jnp.float32)
    b = jax.random.normal(k2, (64,), dtype=jnp.float32)
    # non-trainable state buffer initialized to ones, per tf.Variable(tf.ones([64]))
    c = jnp.ones((64,), dtype=jnp.float32)
    return {"a": a, "b": b, "c": c}


def reference(a, b, c):
    # d = a - b
    d = a - b
    # tensor_scatter_nd_update of c at indices [0..63] with d (full overwrite)
    indices = jnp.arange(64)
    c_new = c.at[indices].set(d)
    return c_new

if __name__ == "__main__":
    import jax
    _d = setup_inputs()
    print(jax.jit(kernel)(*tuple(_d.values())))

</pallas_src>

<mosaic_0001>
#map = affine_map<(d0) -> (0)>
module attributes {stable_mosaic.version = 14 : i64} {
  func.func @_sub_scs(%arg0: i32, %arg1: memref<64xf32, #tpu.memory_space<hbm>>, %arg2: memref<64xf32, #tpu.memory_space<hbm>>, %arg3: memref<64xf32, #tpu.memory_space<hbm>>, %arg4: memref<64xf32, #tpu.memory_space<smem>>, %arg5: memref<64xf32, #tpu.memory_space<smem>>, %arg6: memref<64xf32, #tpu.memory_space<smem>>, %arg7: memref<!tpu.dma_semaphore, #tpu.memory_space<semaphore_mem>>) attributes {dimension_semantics = [#tpu.dimension_semantics<core_parallel>], iteration_bounds = array<i64: 1>, scalar_prefetch = 0 : i64, scratch_operands = 4 : i64, tpu.core_type = #tpu.core_type<sc_scalar_subcore>, window_params = [{transform_indices = #map}, {transform_indices = #map}, {transform_indices = #map}]} {
    tpu.enqueue_dma source(%arg1 : memref<64xf32, #tpu.memory_space<hbm>>) target(%arg4 : memref<64xf32, #tpu.memory_space<smem>>) target_semaphore(%arg7 : memref<!tpu.dma_semaphore, #tpu.memory_space<semaphore_mem>>)
    tpu.enqueue_dma source(%arg2 : memref<64xf32, #tpu.memory_space<hbm>>) target(%arg5 : memref<64xf32, #tpu.memory_space<smem>>) target_semaphore(%arg7 : memref<!tpu.dma_semaphore, #tpu.memory_space<semaphore_mem>>)
    tpu.wait_dma2 semaphore(%arg7 : memref<!tpu.dma_semaphore, #tpu.memory_space<semaphore_mem>>) src(%arg1 : memref<64xf32, #tpu.memory_space<hbm>>) dst(%arg4 : memref<64xf32, #tpu.memory_space<smem>>)
    tpu.wait_dma2 semaphore(%arg7 : memref<!tpu.dma_semaphore, #tpu.memory_space<semaphore_mem>>) src(%arg2 : memref<64xf32, #tpu.memory_space<hbm>>) dst(%arg5 : memref<64xf32, #tpu.memory_space<smem>>)
    %get3A = arith.constant 0 : i32
    %get3A_0 = arith.index_cast %get3A : i32 to index
    %get3A_1 = memref.load %arg4[%get3A_0] : memref<64xf32, #tpu.memory_space<smem>>
    %get3A_2 = arith.constant 0 : i32
    %get3A_3 = arith.index_cast %get3A_2 : i32 to index
    %get3A_4 = memref.load %arg5[%get3A_3] : memref<64xf32, #tpu.memory_space<smem>>
    %sub3A = arith.subf %get3A_1, %get3A_4 : f32
    %swap3A = arith.constant 0 : i32
    %swap3A_5 = arith.index_cast %swap3A : i32 to index
    %swap3A_6 = memref.load %arg6[%swap3A_5] : memref<64xf32, #tpu.memory_space<smem>>
    memref.store %sub3A, %arg6[%swap3A_5] : memref<64xf32, #tpu.memory_space<smem>>
    %get3A_7 = arith.constant 1 : i32
    %get3A_8 = arith.index_cast %get3A_7 : i32 to index
    %get3A_9 = memref.load %arg4[%get3A_8] : memref<64xf32, #tpu.memory_space<smem>>
    %get3A_10 = arith.constant 1 : i32
    %get3A_11 = arith.index_cast %get3A_10 : i32 to index
    %get3A_12 = memref.load %arg5[%get3A_11] : memref<64xf32, #tpu.memory_space<smem>>
    %sub3A_13 = arith.subf %get3A_9, %get3A_12 : f32
    %swap3A_14 = arith.constant 1 : i32
    %swap3A_15 = arith.index_cast %swap3A_14 : i32 to index
    %swap3A_16 = memref.load %arg6[%swap3A_15] : memref<64xf32, #tpu.memory_space<smem>>
    memref.store %sub3A_13, %arg6[%swap3A_15] : memref<64xf32, #tpu.memory_space<smem>>
    %get3A_17 = arith.constant 2 : i32
    %get3A_18 = arith.index_cast %get3A_17 : i32 to index
    %get3A_19 = memref.load %arg4[%get3A_18] : memref<64xf32, #tpu.memory_space<smem>>
    %get3A_20 = arith.constant 2 : i32
    %get3A_21 = arith.index_cast %get3A_20 : i32 to index
    %get3A_22 = memref.load %arg5[%get3A_21] : memref<64xf32, #tpu.memory_space<smem>>
    %sub3A_23 = arith.subf %get3A_19, %get3A_22 : f32
    %swap3A_24 = arith.constant 2 : i32
    %swap3A_25 = arith.index_cast %swap3A_24 : i32 to index
    %swap3A_26 = memref.load %arg6[%swap3A_25] : memref<64xf32, #tpu.memory_space<smem>>
    memref.store %sub3A_23, %arg6[%swap3A_25] : memref<64xf32, #tpu.memory_space<smem>>
    %get3A_27 = arith.constant 3 : i32
    %get3A_28 = arith.index_cast %get3A_27 : i32 to index
    %get3A_29 = memref.load %arg4[%get3A_28] : memref<64xf32, #tpu.memory_space<smem>>
    %get3A_30 = arith.constant 3 : i32
    %get3A_31 = arith.index_cast %get3A_30 : i32 to index
    %get3A_32 = memref.load %arg5[%get3A_31] : memref<64xf32, #tpu.memory_space<smem>>
    %sub3A_33 = arith.subf %get3A_29, %get3A_32 : f32
    %swap3A_34 = arith.constant 3 : i32
    %swap3A_35 = arith.index_cast %swap3A_34 : i32 to index
    %swap3A_36 = memref.load %arg6[%swap3A_35] : memref<64xf32, #tpu.memory_space<smem>>
    memref.store %sub3A_33, %arg6[%swap3A_35] : memref<64xf32, #tpu.memory_space<smem>>
    %get3A_37 = arith.constant 4 : i32
    %get3A_38 = arith.index_cast %get3A_37 : i32 to index
    %get3A_39 = memref.load %arg4[%get3A_38] : memref<64xf32, #tpu.memory_space<smem>>
    %get3A_40 = arith.constant 4 : i32
    %get3A_41 = arith.index_cast %get3A_40 : i32 to index
    %get3A_42 = memref.load %arg5[%get3A_41] : memref<64xf32, #tpu.memory_space<smem>>
    %sub3A_43 = arith.subf %get3A_39, %get3A_42 : f32
    %swap3A_44 = arith.constant 4 : i32
    %swap3A_45 = arith.index_cast %swap3A_44 : i32 to index
    %swap3A_46 = memref.load %arg6[%swap3A_45] : memref<64xf32, #tpu.memory_space<smem>>
    memref.store %sub3A_43, %arg6[%swap3A_45] : memref<64xf32, #tpu.memory_space<smem>>
    %get3A_47 = arith.constant 5 : i32
    %get3A_48 = arith.index_cast %get3A_47 : i32 to index
    %get3A_49 = memref.load %arg4[%get3A_48] : memref<64xf32, #tpu.memory_space<smem>>
    %get3A_50 = arith.constant 5 : i32
    %get3A_51 = arith.index_cast %get3A_50 : i32 to index
    %get3A_52 = memref.load %arg5[%get3A_51] : memref<64xf32, #tpu.memory_space<smem>>
    %sub3A_53 = arith.subf %get3A_49, %get3A_52 : f32
    %swap3A_54 = arith.constant 5 : i32
    %swap3A_55 = arith.index_cast %swap3A_54 : i32 to index
    %swap3A_56 = memref.load %arg6[%swap3A_55] : memref<64xf32, #tpu.memory_space<smem>>
    memref.store %sub3A_53, %arg6[%swap3A_55] : memref<64xf32, #tpu.memory_space<smem>>
    %get3A_57 = arith.constant 6 : i32
    %get3A_58 = arith.index_cast %get3A_57 : i32 to index
    %get3A_59 = memref.load %arg4[%get3A_58] : memref<64xf32, #tpu.memory_space<smem>>
    %get3A_60 = arith.constant 6 : i32
    %get3A_61 = arith.index_cast %get3A_60 : i32 to index
    %get3A_62 = memref.load %arg5[%get3A_61] : memref<64xf32, #tpu.memory_space<smem>>
    %sub3A_63 = arith.subf %get3A_59, %get3A_62 : f32
    %swap3A_64 = arith.constant 6 : i32
    %swap3A_65 = arith.index_cast %swap3A_64 : i32 to index
    %swap3A_66 = memref.load %arg6[%swap3A_65] : memref<64xf32, #tpu.memory_space<smem>>
    memref.store %sub3A_63, %arg6[%swap3A_65] : memref<64xf32, #tpu.memory_space<smem>>
    %get3A_67 = arith.constant 7 : i32
    %get3A_68 = arith.index_cast %get3A_67 : i32 to index
    %get3A_69 = memref.load %arg4[%get3A_68] : memref<64xf32, #tpu.memory_space<smem>>
    %get3A_70 = arith.constant 7 : i32
    %get3A_71 = arith.index_cast %get3A_70 : i32 to index
    %get3A_72 = memref.load %arg5[%get3A_71] : memref<64xf32, #tpu.memory_space<smem>>
    %sub3A_73 = arith.subf %get3A_69, %get3A_72 : f32
    %swap3A_74 = arith.constant 7 : i32
    %swap3A_75 = arith.index_cast %swap3A_74 : i32 to index
    %swap3A_76 = memref.load %arg6[%swap3A_75] : memref<64xf32, #tpu.memory_space<smem>>
    memref.store %sub3A_73, %arg6[%swap3A_75] : memref<64xf32, #tpu.memory_space<smem>>
    %get3A_77 = arith.constant 8 : i32
    %get3A_78 = arith.index_cast %get3A_77 : i32 to index
    %get3A_79 = memref.load %arg4[%get3A_78] : memref<64xf32, #tpu.memory_space<smem>>
    %get3A_80 = arith.constant 8 : i32
    %get3A_81 = arith.index_cast %get3A_80 : i32 to index
    %get3A_82 = memref.load %arg5[%get3A_81] : memref<64xf32, #tpu.memory_space<smem>>
    %sub3A_83 = arith.subf %get3A_79, %get3A_82 : f32
    %swap3A_84 = arith.constant 8 : i32
    %swap3A_85 = arith.index_cast %swap3A_84 : i32 to index
    %swap3A_86 = memref.load %arg6[%swap3A_85] : memref<64xf32, #tpu.memory_space<smem>>
    memref.store %sub3A_83, %arg6[%swap3A_85] : memref<64xf32, #tpu.memory_space<smem>>
    %get3A_87 = arith.constant 9 : i32
    %get3A_88 = arith.index_cast %get3A_87 : i32 to index
    %get3A_89 = memref.load %arg4[%get3A_88] : memref<64xf32, #tpu.memory_space<smem>>
    %get3A_90 = arith.constant 9 : i32
    %get3A_91 = arith.index_cast %get3A_90 : i32 to index
    %get3A_92 = memref.load %arg5[%get3A_91] : memref<64xf32, #tpu.memory_space<smem>>
    %sub3A_93 = arith.subf %get3A_89, %get3A_92 : f32
    %swap3A_94 = arith.constant 9 : i32
    %swap3A_95 = arith.index_cast %swap3A_94 : i32 to index
    %swap3A_96 = memref.load %arg6[%swap3A_95] : memref<64xf32, #tpu.memory_space<smem>>
    memref.store %sub3A_93, %arg6[%swap3A_95] : memref<64xf32, #tpu.memory_space<smem>>
    %get3A_97 = arith.constant 10 : i32
    %get3A_98 = arith.index_cast %get3A_97 : i32 to index
    %get3A_99 = memref.load %arg4[%get3A_98] : memref<64xf32, #tpu.memory_space<smem>>
    %get3A_100 = arith.constant 10 : i32
    %get3A_101 = arith.index_cast %get3A_100 : i32 to index
    %get3A_102 = memref.load %arg5[%get3A_101] : memref<64xf32, #tpu.memory_space<smem>>
    %sub3A_103 = arith.subf %get3A_99, %get3A_102 : f32
    %swap3A_104 = arith.constant 10 : i32
    %swap3A_105 = arith.index_cast %swap3A_104 : i32 to index
    %swap3A_106 = memref.load %arg6[%swap3A_105] : memref<64xf32, #tpu.memory_space<smem>>
    memref.store %sub3A_103, %arg6[%swap3A_105] : memref<64xf32, #tpu.memory_space<smem>>
    %get3A_107 = arith.constant 11 : i32
    %get3A_108 = arith.index_cast %get3A_107 : i32 to index
    %get3A_109 = memref.load %arg4[%get3A_108] : memref<64xf32, #tpu.memory_space<smem>>
    %get3A_110 = arith.constant 11 : i32
    %get3A_111 = arith.index_cast %get3A_110 : i32 to index
    %get3A_112 = memref.load %arg5[%get3A_111] : memref<64xf32, #tpu.memory_space<smem>>
    %sub3A_113 = arith.subf %get3A_109, %get3A_112 : f32
    %swap3A_114 = arith.constant 11 : i32
    %swap3A_115 = arith.index_cast %swap3A_114 : i32 to index
    %swap3A_116 = memref.load %arg6[%swap3A_115] : memref<64xf32, #tpu.memory_space<smem>>
    memref.store %sub3A_113, %arg6[%swap3A_115] : memref<64xf32, #tpu.memory_space<smem>>
    %get3A_117 = arith.constant 12 : i32
    %get3A_118 = arith.index_cast %get3A_117 : i32 to index
    %get3A_119 = memref.load %arg4[%get3A_118] : memref<64xf32, #tpu.memory_space<smem>>
    %get3A_120 = arith.constant 12 : i32
    %get3A_121 = arith.index_cast %get3A_120 : i32 to index
    %get3A_122 = memref.load %arg5[%get3A_121] : memref<64xf32, #tpu.memory_space<smem>>
    %sub3A_123 = arith.subf %get3A_119, %get3A_122 : f32
    %swap3A_124 = arith.constant 12 : i32
    %swap3A_125 = arith.index_cast %swap3A_124 : i32 to index
    %swap3A_126 = memref.load %arg6[%swap3A_125] : memref<64xf32, #tpu.memory_space<smem>>
    memref.store %sub3A_123, %arg6[%swap3A_125] : memref<64xf32, #tpu.memory_space<smem>>
    %get3A_127 = arith.constant 13 : i32
    %get3A_128 = arith.index_cast %get3A_127 : i32 to index
    %get3A_129 = memref.load %arg4[%get3A_128] : memref<64xf32, #tpu.memory_space<smem>>
    %get3A_130 = arith.constant 13 : i32
    %get3A_131 = arith.index_cast %get3A_130 : i32 to index
    %get3A_132 = memref.load %arg5[%get3A_131] : memref<64xf32, #tpu.memory_space<smem>>
    %sub3A_133 = arith.subf %get3A_129, %get3A_132 : f32
    %swap3A_134 = arith.constant 13 : i32
    %swap3A_135 = arith.index_cast %swap3A_134 : i32 to index
    %swap3A_136 = memref.load %arg6[%swap3A_135] : memref<64xf32, #tpu.memory_space<smem>>
    memref.store %sub3A_133, %arg6[%swap3A_135] : memref<64xf32, #tpu.memory_space<smem>>
    %get3A_137 = arith.constant 14 : i32
    %get3A_138 = arith.index_cast %get3A_137 : i32 to index
    %get3A_139 = memref.load %arg4[%get3A_138] : memref<64xf32, #tpu.memory_space<smem>>
    %get3A_140 = arith.constant 14 : i32
    %get3A_141 = arith.index_cast %get3A_140 : i32 to index
    %get3A_142 = memref.load %arg5[%get3A_141] : memref<64xf32, #tpu.memory_space<smem>>
    %sub3A_143 = arith.subf %get3A_139, %get3A_142 : f32
    %swap3A_144 = arith.constant 14 : i32
    %swap3A_145 = arith.index_cast %swap3A_144 : i32 to index
    %swap3A_146 = memref.load %arg6[%swap3A_145] : memref<64xf32, #tpu.memory_space<smem>>
    memref.store %sub3A_143, %arg6[%swap3A_145] : memref<64xf32, #tpu.memory_space<smem>>
    %get3A_147 = arith.constant 15 : i32
    %get3A_148 = arith.index_cast %get3A_147 : i32 to index
    %get3A_149 = memref.load %arg4[%get3A_148] : memref<64xf32, #tpu.memory_space<smem>>
    %get3A_150 = arith.constant 15 : i32
    %get3A_151 = arith.index_cast %get3A_150 : i32 to index
    %get3A_152 = memref.load %arg5[%get3A_151] : memref<64xf32, #tpu.memory_space<smem>>
    %sub3A_153 = arith.subf %get3A_149, %get3A_152 : f32
    %swap3A_154 = arith.constant 15 : i32
    %swap3A_155 = arith.index_cast %swap3A_154 : i32 to index
    %swap3A_156 = memref.load %arg6[%swap3A_155] : memref<64xf32, #tpu.memory_space<smem>>
    memref.store %sub3A_153, %arg6[%swap3A_155] : memref<64xf32, #tpu.memory_space<smem>>
    %get3A_157 = arith.constant 16 : i32
    %get3A_158 = arith.index_cast %get3A_157 : i32 to index
    %get3A_159 = memref.load %arg4[%get3A_158] : memref<64xf32, #tpu.memory_space<smem>>
    %get3A_160 = arith.constant 16 : i32
    %get3A_161 = arith.index_cast %get3A_160 : i32 to index
    %get3A_162 = memref.load %arg5[%get3A_161] : memref<64xf32, #tpu.memory_space<smem>>
    %sub3A_163 = arith.subf %get3A_159, %get3A_162 : f32
    %swap3A_164 = arith.constant 16 : i32
    %swap3A_165 = arith.index_cast %swap3A_164 : i32 to index
    %swap3A_166 = memref.load %arg6[%swap3A_165] : memref<64xf32, #tpu.memory_space<smem>>
    memref.store %sub3A_163, %arg6[%swap3A_165] : memref<64xf32, #tpu.memory_space<smem>>
    %get3A_167 = arith.constant 17 : i32
    %get3A_168 = arith.index_cast %get3A_167 : i32 to index
    %get3A_169 = memref.load %arg4[%get3A_168] : memref<64xf32, #tpu.memory_space<smem>>
    %get3A_170 = arith.constant 17 : i32
    %get3A_171 = arith.index_cast %get3A_170 : i32 to index
    %get3A_172 = memref.load %arg5[%get3A_171] : memref<64xf32, #tpu.memory_space<smem>>
    %sub3A_173 = arith.subf %get3A_169, %get3A_172 : f32
    %swap3A_174 = arith.constant 17 : i32
    %swap3A_175 = arith.index_cast %swap3A_174 : i32 to index
    %swap3A_176 = memref.load %arg6[%swap3A_175] : memref<64xf32, #tpu.memory_space<smem>>
    memref.store %sub3A_173, %arg6[%swap3A_175] : memref<64xf32, #tpu.memory_space<smem>>
    %get3A_177 = arith.constant 18 : i32
    %get3A_178 = arith.index_cast %get3A_177 : i32 to index
    %get3A_179 = memref.load %arg4[%get3A_178] : memref<64xf32, #tpu.memory_space<smem>>
    %get3A_180 = arith.constant 18 : i32
    %get3A_181 = arith.index_cast %get3A_180 : i32 to index
    %get3A_182 = memref.load %arg5[%get3A_181] : memref<64xf32, #tpu.memory_space<smem>>
    %sub3A_183 = arith.subf %get3A_179, %get3A_182 : f32
    %swap3A_184 = arith.constant 18 : i32
    %swap3A_185 = arith.index_cast %swap3A_184 : i32 to index
    %swap3A_186 = memref.load %arg6[%swap3A_185] : memref<64xf32, #tpu.memory_space<smem>>
    memref.store %sub3A_183, %arg6[%swap3A_185] : memref<64xf32, #tpu.memory_space<smem>>
    %get3A_187 = arith.constant 19 : i32
    %get3A_188 = arith.index_cast %get3A_187 : i32 to index
    %get3A_189 = memref.load %arg4[%get3A_188] : memref<64xf32, #tpu.memory_space<smem>>
    %get3A_190 = arith.constant 19 : i32
    %get3A_191 = arith.index_cast %get3A_190 : i32 to index
    %get3A_192 = memref.load %arg5[%get3A_191] : memref<64xf32, #tpu.memory_space<smem>>
    %sub3A_193 = arith.subf %get3A_189, %get3A_192 : f32
    %swap3A_194 = arith.constant 19 : i32
    %swap3A_195 = arith.index_cast %swap3A_194 : i32 to index
    %swap3A_196 = memref.load %arg6[%swap3A_195] : memref<64xf32, #tpu.memory_space<smem>>
    memref.store %sub3A_193, %arg6[%swap3A_195] : memref<64xf32, #tpu.memory_space<smem>>
    %get3A_197 = arith.constant 20 : i32
    %get3A_198 = arith.index_cast %get3A_197 : i32 to index
    %get3A_199 = memref.load %arg4[%get3A_198] : memref<64xf32, #tpu.memory_space<smem>>
    %get3A_200 = arith.constant 20 : i32
    %get3A_201 = arith.index_cast %get3A_200 : i32 to index
    %get3A_202 = memref.load %arg5[%get3A_201] : memref<64xf32, #tpu.memory_space<smem>>
    %sub3A_203 = arith.subf %get3A_199, %get3A_202 : f32
    %swap3A_204 = arith.constant 20 : i32
    %swap3A_205 = arith.index_cast %swap3A_204 : i32 to index
    %swap3A_206 = memref.load %arg6[%swap3A_205] : memref<64xf32, #tpu.memory_space<smem>>
    memref.store %sub3A_203, %arg6[%swap3A_205] : memref<64xf32, #tpu.memory_space<smem>>
    %get3A_207 = arith.constant 21 : i32
    %get3A_208 = arith.index_cast %get3A_207 : i32 to index
    %get3A_209 = memref.load %arg4[%get3A_208] : memref<64xf32, #tpu.memory_space<smem>>
    %get3A_210 = arith.constant 21 : i32
    %get3A_211 = arith.index_cast %get3A_210 : i32 to index
    %get3A_212 = memref.load %arg5[%get3A_211] : memref<64xf32, #tpu.memory_space<smem>>
    %sub3A_213 = arith.subf %get3A_209, %get3A_212 : f32
    %swap3A_214 = arith.constant 21 : i32
    %swap3A_215 = arith.index_cast %swap3A_214 : i32 to index
    %swap3A_216 = memref.load %arg6[%swap3A_215] : memref<64xf32, #tpu.memory_space<smem>>
    memref.store %sub3A_213, %arg6[%swap3A_215] : memref<64xf32, #tpu.memory_space<smem>>
    %get3A_217 = arith.constant 22 : i32
    %get3A_218 = arith.index_cast %get3A_217 : i32 to index
    %get3A_219 = memref.load %arg4[%get3A_218] : memref<64xf32, #tpu.memory_space<smem>>
    %get3A_220 = arith.constant 22 : i32
    %get3A_221 = arith.index_cast %get3A_220 : i32 to index
    %get3A_222 = memref.load %arg5[%get3A_221] : memref<64xf32, #tpu.memory_space<smem>>
    %sub3A_223 = arith.subf %get3A_219, %get3A_222 : f32
    %swap3A_224 = arith.constant 22 : i32
    %swap3A_225 = arith.index_cast %swap3A_224 : i32 to index
    %swap3A_226 = memref.load %arg6[%swap3A_225] : memref<64xf32, #tpu.memory_space<smem>>
    memref.store %sub3A_223, %arg6[%swap3A_225] : memref<64xf32, #tpu.memory_space<smem>>
    %get3A_227 = arith.constant 23 : i32
    %get3A_228 = arith.index_cast %get3A_227 : i32 to index
    %get3A_229 = memref.load %arg4[%get3A_228] : memref<64xf32, #tpu.memory_space<smem>>
    %get3A_230 = arith.constant 23 : i32
    %get3A_231 = arith.index_cast %get3A_230 : i32 to index
    %get3A_232 = memref.load %arg5[%get3A_231] : memref<64xf32, #tpu.memory_space<smem>>
    %sub3A_233 = arith.subf %get3A_229, %get3A_232 : f32
    %swap3A_234 = arith.constant 23 : i32
    %swap3A_235 = arith.index_cast %swap3A_234 : i32 to index
    %swap3A_236 = memref.load %arg6[%swap3A_235] : memref<64xf32, #tpu.memory_space<smem>>
    memref.store %sub3A_233, %arg6[%swap3A_235] : memref<64xf32, #tpu.memory_space<smem>>
    %get3A_237 = arith.constant 24 : i32
    %get3A_238 = arith.index_cast %get3A_237 : i32 to index
    %get3A_239 = memref.load %arg4[%get3A_238] : memref<64xf32, #tpu.memory_space<smem>>
    %get3A_240 = arith.constant 24 : i32
    %get3A_241 = arith.index_cast %get3A_240 : i32 to index
    %get3A_242 = memref.load %arg5[%get3A_241] : memref<64xf32, #tpu.memory_space<smem>>
    %sub3A_243 = arith.subf %get3A_239, %get3A_242 : f32
    %swap3A_244 = arith.constant 24 : i32
    %swap3A_245 = arith.index_cast %swap3A_244 : i32 to index
    %swap3A_246 = memref.load %arg6[%swap3A_245] : memref<64xf32, #tpu.memory_space<smem>>
    memref.store %sub3A_243, %arg6[%swap3A_245] : memref<64xf32, #tpu.memory_space<smem>>
    %get3A_247 = arith.constant 25 : i32
    %get3A_248 = arith.index_cast %get3A_247 : i32 to index
    %get3A_249 = memref.load %arg4[%get3A_248] : memref<64xf32, #tpu.memory_space<smem>>
    %get3A_250 = arith.constant 25 : i32
    %get3A_251 = arith.index_cast %get3A_250 : i32 to index
    %get3A_252 = memref.load %arg5[%get3A_251] : memref<64xf32, #tpu.memory_space<smem>>
    %sub3A_253 = arith.subf %get3A_249, %get3A_252 : f32
    %swap3A_254 = arith.constant 25 : i32
    %swap3A_255 = arith.index_cast %swap3A_254 : i32 to index
    %swap3A_256 = memref.load %arg6[%swap3A_255] : memref<64xf32, #tpu.memory_space<smem>>
    memref.store %sub3A_253, %arg6[%swap3A_255] : memref<64xf32, #tpu.memory_space<smem>>
    %get3A_257 = arith.constant 26 : i32
    %get3A_258 = arith.index_cast %get3A_257 : i32 to index
    %get3A_259 = memref.load %arg4[%get3A_258] : memref<64xf32, #tpu.memory_space<smem>>
    %get3A_260 = arith.constant 26 : i32
    %get3A_261 = arith.index_cast %get3A_260 : i32 to index
    %get3A_262 = memref.load %arg5[%get3A_261] : memref<64xf32, #tpu.memory_space<smem>>
    %sub3A_263 = arith.subf %get3A_259, %get3A_262 : f32
    %swap3A_264 = arith.constant 26 : i32
    %swap3A_265 = arith.index_cast %swap3A_264 : i32 to index
    %swap3A_266 = memref.load %arg6[%swap3A_265] : memref<64xf32, #tpu.memory_space<smem>>
    memref.store %sub3A_263, %arg6[%swap3A_265] : memref<64xf32, #tpu.memory_space<smem>>
    %get3A_267 = arith.constant 27 : i32
    %get3A_268 = arith.index_cast %get3A_267 : i32 to index
    %get3A_269 = memref.load %arg4[%get3A_268] : memref<64xf32, #tpu.memory_space<smem>>
    %get3A_270 = arith.constant 27 : i32
    %get3A_271 = arith.index_cast %get3A_270 : i32 to index
    %get3A_272 = memref.load %arg5[%get3A_271] : memref<64xf32, #tpu.memory_space<smem>>
    %sub3A_273 = arith.subf %get3A_269, %get3A_272 : f32
    %swap3A_274 = arith.constant 27 : i32
    %swap3A_275 = arith.index_cast %swap3A_274 : i32 to index
    %swap3A_276 = memref.load %arg6[%swap3A_275] : memref<64xf32, #tpu.memory_space<smem>>
    memref.store %sub3A_273, %arg6[%swap3A_275] : memref<64xf32, #tpu.memory_space<smem>>
    %get3A_277 = arith.constant 28 : i32
    %get3A_278 = arith.index_cast %get3A_277 : i32 to index
    %get3A_279 = memref.load %arg4[%get3A_278] : memref<64xf32, #tpu.memory_space<smem>>
    %get3A_280 = arith.constant 28 : i32
    %get3A_281 = arith.index_cast %get3A_280 : i32 to index
    %get3A_282 = memref.load %arg5[%get3A_281] : memref<64xf32, #tpu.memory_space<smem>>
    %sub3A_283 = arith.subf %get3A_279, %get3A_282 : f32
    %swap3A_284 = arith.constant 28 : i32
    %swap3A_285 = arith.index_cast %swap3A_284 : i32 to index
    %swap3A_286 = memref.load %arg6[%swap3A_285] : memref<64xf32, #tpu.memory_space<smem>>
    memref.store %sub3A_283, %arg6[%swap3A_285] : memref<64xf32, #tpu.memory_space<smem>>
    %get3A_287 = arith.constant 29 : i32
    %get3A_288 = arith.index_cast %get3A_287 : i32 to index
    %get3A_289 = memref.load %arg4[%get3A_288] : memref<64xf32, #tpu.memory_space<smem>>
    %get3A_290 = arith.constant 29 : i32
    %get3A_291 = arith.index_cast %get3A_290 : i32 to index
    %get3A_292 = memref.load %arg5[%get3A_291] : memref<64xf32, #tpu.memory_space<smem>>
    %sub3A_293 = arith.subf %get3A_289, %get3A_292 : f32
    %swap3A_294 = arith.constant 29 : i32
    %swap3A_295 = arith.index_cast %swap3A_294 : i32 to index
    %swap3A_296 = memref.load %arg6[%swap3A_295] : memref<64xf32, #tpu.memory_space<smem>>
    memref.store %sub3A_293, %arg6[%swap3A_295] : memref<64xf32, #tpu.memory_space<smem>>
    %get3A_297 = arith.constant 30 : i32
    %get3A_298 = arith.index_cast %get3A_297 : i32 to index
    %get3A_299 = memref.load %arg4[%get3A_298] : memref<64xf32, #tpu.memory_space<smem>>
    %get3A_300 = arith.constant 30 : i32
    %get3A_301 = arith.index_cast %get3A_300 : i32 to index
    %get3A_302 = memref.load %arg5[%get3A_301] : memref<64xf32, #tpu.memory_space<smem>>
    %sub3A_303 = arith.subf %get3A_299, %get3A_302 : f32
    %swap3A_304 = arith.constant 30 : i32
    %swap3A_305 = arith.index_cast %swap3A_304 : i32 to index
    %swap3A_306 = memref.load %arg6[%swap3A_305] : memref<64xf32, #tpu.memory_space<smem>>
    memref.store %sub3A_303, %arg6[%swap3A_305] : memref<64xf32, #tpu.memory_space<smem>>
    %get3A_307 = arith.constant 31 : i32
    %get3A_308 = arith.index_cast %get3A_307 : i32 to index
    %get3A_309 = memref.load %arg4[%get3A_308] : memref<64xf32, #tpu.memory_space<smem>>
    %get3A_310 = arith.constant 31 : i32
    %get3A_311 = arith.index_cast %get3A_310 : i32 to index
    %get3A_312 = memref.load %arg5[%get3A_311] : memref<64xf32, #tpu.memory_space<smem>>
    %sub3A_313 = arith.subf %get3A_309, %get3A_312 : f32
    %swap3A_314 = arith.constant 31 : i32
    %swap3A_315 = arith.index_cast %swap3A_314 : i32 to index
    %swap3A_316 = memref.load %arg6[%swap3A_315] : memref<64xf32, #tpu.memory_space<smem>>
    memref.store %sub3A_313, %arg6[%swap3A_315] : memref<64xf32, #tpu.memory_space<smem>>
    %get3A_317 = arith.constant 32 : i32
    %get3A_318 = arith.index_cast %get3A_317 : i32 to index
    %get3A_319 = memref.load %arg4[%get3A_318] : memref<64xf32, #tpu.memory_space<smem>>
    %get3A_320 = arith.constant 32 : i32
    %get3A_321 = arith.index_cast %get3A_320 : i32 to index
    %get3A_322 = memref.load %arg5[%get3A_321] : memref<64xf32, #tpu.memory_space<smem>>
    %sub3A_323 = arith.subf %get3A_319, %get3A_322 : f32
    %swap3A_324 = arith.constant 32 : i32
    %swap3A_325 = arith.index_cast %swap3A_324 : i32 to index
    %swap3A_326 = memref.load %arg6[%swap3A_325] : memref<64xf32, #tpu.memory_space<smem>>
    memref.store %sub3A_323, %arg6[%swap3A_325] : memref<64xf32, #tpu.memory_space<smem>>
    %get3A_327 = arith.constant 33 : i32
    %get3A_328 = arith.index_cast %get3A_327 : i32 to index
    %get3A_329 = memref.load %arg4[%get3A_328] : memref<64xf32, #tpu.memory_space<smem>>
    %get3A_330 = arith.constant 33 : i32
    %get3A_331 = arith.index_cast %get3A_330 : i32 to index
    %get3A_332 = memref.load %arg5[%get3A_331] : memref<64xf32, #tpu.memory_space<smem>>
    %sub3A_333 = arith.subf %get3A_329, %get3A_332 : f32
    %swap3A_334 = arith.constant 33 : i32
    %swap3A_335 = arith.index_cast %swap3A_334 : i32 to index
    %swap3A_336 = memref.load %arg6[%swap3A_335] : memref<64xf32, #tpu.memory_space<smem>>
    memref.store %sub3A_333, %arg6[%swap3A_335] : memref<64xf32, #tpu.memory_space<smem>>
    %get3A_337 = arith.constant 34 : i32
    %get3A_338 = arith.index_cast %get3A_337 : i32 to index
    %get3A_339 = memref.load %arg4[%get3A_338] : memref<64xf32, #tpu.memory_space<smem>>
    %get3A_340 = arith.constant 34 : i32
    %get3A_341 = arith.index_cast %get3A_340 : i32 to index
    %get3A_342 = memref.load %arg5[%get3A_341] : memref<64xf32, #tpu.memory_space<smem>>
    %sub3A_343 = arith.subf %get3A_339, %get3A_342 : f32
    %swap3A_344 = arith.constant 34 : i32
    %swap3A_345 = arith.index_cast %swap3A_344 : i32 to index
    %swap3A_346 = memref.load %arg6[%swap3A_345] : memref<64xf32, #tpu.memory_space<smem>>
    memref.store %sub3A_343, %arg6[%swap3A_345] : memref<64xf32, #tpu.memory_space<smem>>
    %get3A_347 = arith.constant 35 : i32
    %get3A_348 = arith.index_cast %get3A_347 : i32 to index
    %get3A_349 = memref.load %arg4[%get3A_348] : memref<64xf32, #tpu.memory_space<smem>>
    %get3A_350 = arith.constant 35 : i32
    %get3A_351 = arith.index_cast %get3A_350 : i32 to index
    %get3A_352 = memref.load %arg5[%get3A_351] : memref<64xf32, #tpu.memory_space<smem>>
    %sub3A_353 = arith.subf %get3A_349, %get3A_352 : f32
    %swap3A_354 = arith.constant 35 : i32
    %swap3A_355 = arith.index_cast %swap3A_354 : i32 to index
    %swap3A_356 = memref.load %arg6[%swap3A_355] : memref<64xf32, #tpu.memory_space<smem>>
    memref.store %sub3A_353, %arg6[%swap3A_355] : memref<64xf32, #tpu.memory_space<smem>>
    %get3A_357 = arith.constant 36 : i32
    %get3A_358 = arith.index_cast %get3A_357 : i32 to index
    %get3A_359 = memref.load %arg4[%get3A_358] : memref<64xf32, #tpu.memory_space<smem>>
    %get3A_360 = arith.constant 36 : i32
    %get3A_361 = arith.index_cast %get3A_360 : i32 to index
    %get3A_362 = memref.load %arg5[%get3A_361] : memref<64xf32, #tpu.memory_space<smem>>
    %sub3A_363 = arith.subf %get3A_359, %get3A_362 : f32
    %swap3A_364 = arith.constant 36 : i32
    %swap3A_365 = arith.index_cast %swap3A_364 : i32 to index
    %swap3A_366 = memref.load %arg6[%swap3A_365] : memref<64xf32, #tpu.memory_space<smem>>
    memref.store %sub3A_363, %arg6[%swap3A_365] : memref<64xf32, #tpu.memory_space<smem>>
    %get3A_367 = arith.constant 37 : i32
    %get3A_368 = arith.index_cast %get3A_367 : i32 to index
    %get3A_369 = memref.load %arg4[%get3A_368] : memref<64xf32, #tpu.memory_space<smem>>
    %get3A_370 = arith.constant 37 : i32
    %get3A_371 = arith.index_cast %get3A_370 : i32 to index
    %get3A_372 = memref.load %arg5[%get3A_371] : memref<64xf32, #tpu.memory_space<smem>>
    %sub3A_373 = arith.subf %get3A_369, %get3A_372 : f32
    %swap3A_374 = arith.constant 37 : i32
    %swap3A_375 = arith.index_cast %swap3A_374 : i32 to index
    %swap3A_376 = memref.load %arg6[%swap3A_375] : memref<64xf32, #tpu.memory_space<smem>>
    memref.store %sub3A_373, %arg6[%swap3A_375] : memref<64xf32, #tpu.memory_space<smem>>
    %get3A_377 = arith.constant 38 : i32
    %get3A_378 = arith.index_cast %get3A_377 : i32 to index
    %get3A_379 = memref.load %arg4[%get3A_378] : memref<64xf32, #tpu.memory_space<smem>>
    %get3A_380 = arith.constant 38 : i32
    %get3A_381 = arith.index_cast %get3A_380 : i32 to index
    %get3A_382 = memref.load %arg5[%get3A_381] : memref<64xf32, #tpu.memory_space<smem>>
    %sub3A_383 = arith.subf %get3A_379, %get3A_382 : f32
    %swap3A_384 = arith.constant 38 : i32
    %swap3A_385 = arith.index_cast %swap3A_384 : i32 to index
    %swap3A_386 = memref.load %arg6[%swap3A_385] : memref<64xf32, #tpu.memory_space<smem>>
    memref.store %sub3A_383, %arg6[%swap3A_385] : memref<64xf32, #tpu.memory_space<smem>>
    %get3A_387 = arith.constant 39 : i32
    %get3A_388 = arith.index_cast %get3A_387 : i32 to index
    %get3A_389 = memref.load %arg4[%get3A_388] : memref<64xf32, #tpu.memory_space<smem>>
    %get3A_390 = arith.constant 39 : i32
    %get3A_391 = arith.index_cast %get3A_390 : i32 to index
    %get3A_392 = memref.load %arg5[%get3A_391] : memref<64xf32, #tpu.memory_space<smem>>
    %sub3A_393 = arith.subf %get3A_389, %get3A_392 : f32
    %swap3A_394 = arith.constant 39 : i32
    %swap3A_395 = arith.index_cast %swap3A_394 : i32 to index
    %swap3A_396 = memref.load %arg6[%swap3A_395] : memref<64xf32, #tpu.memory_space<smem>>
    memref.store %sub3A_393, %arg6[%swap3A_395] : memref<64xf32, #tpu.memory_space<smem>>
    %get3A_397 = arith.constant 40 : i32
    %get3A_398 = arith.index_cast %get3A_397 : i32 to index
    %get3A_399 = memref.load %arg4[%get3A_398] : memref<64xf32, #tpu.memory_space<smem>>
    %get3A_400 = arith.constant 40 : i32
    %get3A_401 = arith.index_cast %get3A_400 : i32 to index
    %get3A_402 = memref.load %arg5[%get3A_401] : memref<64xf32, #tpu.memory_space<smem>>
    %sub3A_403 = arith.subf %get3A_399, %get3A_402 : f32
    %swap3A_404 = arith.constant 40 : i32
    %swap3A_405 = arith.index_cast %swap3A_404 : i32 to index
    %swap3A_406 = memref.load %arg6[%swap3A_405] : memref<64xf32, #tpu.memory_space<smem>>
    memref.store %sub3A_403, %arg6[%swap3A_405] : memref<64xf32, #tpu.memory_space<smem>>
    %get3A_407 = arith.constant 41 : i32
    %get3A_408 = arith.index_cast %get3A_407 : i32 to index
    %get3A_409 = memref.load %arg4[%get3A_408] : memref<64xf32, #tpu.memory_space<smem>>
    %get3A_410 = arith.constant 41 : i32
    %get3A_411 = arith.index_cast %get3A_410 : i32 to index
    %get3A_412 = memref.load %arg5[%get3A_411] : memref<64xf32, #tpu.memory_space<smem>>
    %sub3A_413 = arith.subf %get3A_409, %get3A_412 : f32
    %swap3A_414 = arith.constant 41 : i32
    %swap3A_415 = arith.index_cast %swap3A_414 : i32 to index
    %swap3A_416 = memref.load %arg6[%swap3A_415] : memref<64xf32, #tpu.memory_space<smem>>
    memref.store %sub3A_413, %arg6[%swap3A_415] : memref<64xf32, #tpu.memory_space<smem>>
    %get3A_417 = arith.constant 42 : i32
    %get3A_418 = arith.index_cast %get3A_417 : i32 to index
    %get3A_419 = memref.load %arg4[%get3A_418] : memref<64xf32, #tpu.memory_space<smem>>
    %get3A_420 = arith.constant 42 : i32
    %get3A_421 = arith.index_cast %get3A_420 : i32 to index
    %get3A_422 = memref.load %arg5[%get3A_421] : memref<64xf32, #tpu.memory_space<smem>>
    %sub3A_423 = arith.subf %get3A_419, %get3A_422 : f32
    %swap3A_424 = arith.constant 42 : i32
    %swap3A_425 = arith.index_cast %swap3A_424 : i32 to index
    %swap3A_426 = memref.load %arg6[%swap3A_425] : memref<64xf32, #tpu.memory_space<smem>>
    memref.store %sub3A_423, %arg6[%swap3A_425] : memref<64xf32, #tpu.memory_space<smem>>
    %get3A_427 = arith.constant 43 : i32
    %get3A_428 = arith.index_cast %get3A_427 : i32 to index
    %get3A_429 = memref.load %arg4[%get3A_428] : memref<64xf32, #tpu.memory_space<smem>>
    %get3A_430 = arith.constant 43 : i32
    %get3A_431 = arith.index_cast %get3A_430 : i32 to index
    %get3A_432 = memref.load %arg5[%get3A_431] : memref<64xf32, #tpu.memory_space<smem>>
    %sub3A_433 = arith.subf %get3A_429, %get3A_432 : f32
    %swap3A_434 = arith.constant 43 : i32
    %swap3A_435 = arith.index_cast %swap3A_434 : i32 to index
    %swap3A_436 = memref.load %arg6[%swap3A_435] : memref<64xf32, #tpu.memory_space<smem>>
    memref.store %sub3A_433, %arg6[%swap3A_435] : memref<64xf32, #tpu.memory_space<smem>>
    %get3A_437 = arith.constant 44 : i32
    %get3A_438 = arith.index_cast %get3A_437 : i32 to index
    %get3A_439 = memref.load %arg4[%get3A_438] : memref<64xf32, #tpu.memory_space<smem>>
    %get3A_440 = arith.constant 44 : i32
    %get3A_441 = arith.index_cast %get3A_440 : i32 to index
    %get3A_442 = memref.load %arg5[%get3A_441] : memref<64xf32, #tpu.memory_space<smem>>
    %sub3A_443 = arith.subf %get3A_439, %get3A_442 : f32
    %swap3A_444 = arith.constant 44 : i32
    %swap3A_445 = arith.index_cast %swap3A_444 : i32 to index
    %swap3A_446 = memref.load %arg6[%swap3A_445] : memref<64xf32, #tpu.memory_space<smem>>
    memref.store %sub3A_443, %arg6[%swap3A_445] : memref<64xf32, #tpu.memory_space<smem>>
    %get3A_447 = arith.constant 45 : i32
    %get3A_448 = arith.index_cast %get3A_447 : i32 to index
    %get3A_449 = memref.load %arg4[%get3A_448] : memref<64xf32, #tpu.memory_space<smem>>
    %get3A_450 = arith.constant 45 : i32
    %get3A_451 = arith.index_cast %get3A_450 : i32 to index
    %get3A_452 = memref.load %arg5[%get3A_451] : memref<64xf32, #tpu.memory_space<smem>>
    %sub3A_453 = arith.subf %get3A_449, %get3A_452 : f32
    %swap3A_454 = arith.constant 45 : i32
    %swap3A_455 = arith.index_cast %swap3A_454 : i32 to index
    %swap3A_456 = memref.load %arg6[%swap3A_455] : memref<64xf32, #tpu.memory_space<smem>>
    memref.store %sub3A_453, %arg6[%swap3A_455] : memref<64xf32, #tpu.memory_space<smem>>
    %get3A_457 = arith.constant 46 : i32
    %get3A_458 = arith.index_cast %get3A_457 : i32 to index
    %get3A_459 = memref.load %arg4[%get3A_458] : memref<64xf32, #tpu.memory_space<smem>>
    %get3A_460 = arith.constant 46 : i32
    %get3A_461 = arith.index_cast %get3A_460 : i32 to index
    %get3A_462 = memref.load %arg5[%get3A_461] : memref<64xf32, #tpu.memory_space<smem>>
    %sub3A_463 = arith.subf %get3A_459, %get3A_462 : f32
    %swap3A_464 = arith.constant 46 : i32
    %swap3A_465 = arith.index_cast %swap3A_464 : i32 to index
    %swap3A_466 = memref.load %arg6[%swap3A_465] : memref<64xf32, #tpu.memory_space<smem>>
    memref.store %sub3A_463, %arg6[%swap3A_465] : memref<64xf32, #tpu.memory_space<smem>>
    %get3A_467 = arith.constant 47 : i32
    %get3A_468 = arith.index_cast %get3A_467 : i32 to index
    %get3A_469 = memref.load %arg4[%get3A_468] : memref<64xf32, #tpu.memory_space<smem>>
    %get3A_470 = arith.constant 47 : i32
    %get3A_471 = arith.index_cast %get3A_470 : i32 to index
    %get3A_472 = memref.load %arg5[%get3A_471] : memref<64xf32, #tpu.memory_space<smem>>
    %sub3A_473 = arith.subf %get3A_469, %get3A_472 : f32
    %swap3A_474 = arith.constant 47 : i32
    %swap3A_475 = arith.index_cast %swap3A_474 : i32 to index
    %swap3A_476 = memref.load %arg6[%swap3A_475] : memref<64xf32, #tpu.memory_space<smem>>
    memref.store %sub3A_473, %arg6[%swap3A_475] : memref<64xf32, #tpu.memory_space<smem>>
    %get3A_477 = arith.constant 48 : i32
    %get3A_478 = arith.index_cast %get3A_477 : i32 to index
    %get3A_479 = memref.load %arg4[%get3A_478] : memref<64xf32, #tpu.memory_space<smem>>
    %get3A_480 = arith.constant 48 : i32
    %get3A_481 = arith.index_cast %get3A_480 : i32 to index
    %get3A_482 = memref.load %arg5[%get3A_481] : memref<64xf32, #tpu.memory_space<smem>>
    %sub3A_483 = arith.subf %get3A_479, %get3A_482 : f32
    %swap3A_484 = arith.constant 48 : i32
    %swap3A_485 = arith.index_cast %swap3A_484 : i32 to index
    %swap3A_486 = memref.load %arg6[%swap3A_485] : memref<64xf32, #tpu.memory_space<smem>>
    memref.store %sub3A_483, %arg6[%swap3A_485] : memref<64xf32, #tpu.memory_space<smem>>
    %get3A_487 = arith.constant 49 : i32
    %get3A_488 = arith.index_cast %get3A_487 : i32 to index
    %get3A_489 = memref.load %arg4[%get3A_488] : memref<64xf32, #tpu.memory_space<smem>>
    %get3A_490 = arith.constant 49 : i32
    %get3A_491 = arith.index_cast %get3A_490 : i32 to index
    %get3A_492 = memref.load %arg5[%get3A_491] : memref<64xf32, #tpu.memory_space<smem>>
    %sub3A_493 = arith.subf %get3A_489, %get3A_492 : f32
    %swap3A_494 = arith.constant 49 : i32
    %swap3A_495 = arith.index_cast %swap3A_494 : i32 to index
    %swap3A_496 = memref.load %arg6[%swap3A_495] : memref<64xf32, #tpu.memory_space<smem>>
    memref.store %sub3A_493, %arg6[%swap3A_495] : memref<64xf32, #tpu.memory_space<smem>>
    %get3A_497 = arith.constant 50 : i32
    %get3A_498 = arith.index_cast %get3A_497 : i32 to index
    %get3A_499 = memref.load %arg4[%get3A_498] : memref<64xf32, #tpu.memory_space<smem>>
    %get3A_500 = arith.constant 50 : i32
    %get3A_501 = arith.index_cast %get3A_500 : i32 to index
    %get3A_502 = memref.load %arg5[%get3A_501] : memref<64xf32, #tpu.memory_space<smem>>
    %sub3A_503 = arith.subf %get3A_499, %get3A_502 : f32
    %swap3A_504 = arith.constant 50 : i32
    %swap3A_505 = arith.index_cast %swap3A_504 : i32 to index
    %swap3A_506 = memref.load %arg6[%swap3A_505] : memref<64xf32, #tpu.memory_space<smem>>
    memref.store %sub3A_503, %arg6[%swap3A_505] : memref<64xf32, #tpu.memory_space<smem>>
    %get3A_507 = arith.constant 51 : i32
    %get3A_508 = arith.index_cast %get3A_507 : i32 to index
    %get3A_509 = memref.load %arg4[%get3A_508] : memref<64xf32, #tpu.memory_space<smem>>
    %get3A_510 = arith.constant 51 : i32
    %get3A_511 = arith.index_cast %get3A_510 : i32 to index
    %get3A_512 = memref.load %arg5[%get3A_511] : memref<64xf32, #tpu.memory_space<smem>>
    %sub3A_513 = arith.subf %get3A_509, %get3A_512 : f32
    %swap3A_514 = arith.constant 51 : i32
    %swap3A_515 = arith.index_cast %swap3A_514 : i32 to index
    %swap3A_516 = memref.load %arg6[%swap3A_515] : memref<64xf32, #tpu.memory_space<smem>>
    memref.store %sub3A_513, %arg6[%swap3A_515] : memref<64xf32, #tpu.memory_space<smem>>
    %get3A_517 = arith.constant 52 : i32
    %get3A_518 = arith.index_cast %get3A_517 : i32 to index
    %get3A_519 = memref.load %arg4[%get3A_518] : memref<64xf32, #tpu.memory_space<smem>>
    %get3A_520 = arith.constant 52 : i32
    %get3A_521 = arith.index_cast %get3A_520 : i32 to index
    %get3A_522 = memref.load %arg5[%get3A_521] : memref<64xf32, #tpu.memory_space<smem>>
    %sub3A_523 = arith.subf %get3A_519, %get3A_522 : f32
    %swap3A_524 = arith.constant 52 : i32
    %swap3A_525 = arith.index_cast %swap3A_524 : i32 to index
    %swap3A_526 = memref.load %arg6[%swap3A_525] : memref<64xf32, #tpu.memory_space<smem>>
    memref.store %sub3A_523, %arg6[%swap3A_525] : memref<64xf32, #tpu.memory_space<smem>>
    %get3A_527 = arith.constant 53 : i32
    %get3A_528 = arith.index_cast %get3A_527 : i32 to index
    %get3A_529 = memref.load %arg4[%get3A_528] : memref<64xf32, #tpu.memory_space<smem>>
    %get3A_530 = arith.constant 53 : i32
    %get3A_531 = arith.index_cast %get3A_530 : i32 to index
    %get3A_532 = memref.load %arg5[%get3A_531] : memref<64xf32, #tpu.memory_space<smem>>
    %sub3A_533 = arith.subf %get3A_529, %get3A_532 : f32
    %swap3A_534 = arith.constant 53 : i32
    %swap3A_535 = arith.index_cast %swap3A_534 : i32 to index
    %swap3A_536 = memref.load %arg6[%swap3A_535] : memref<64xf32, #tpu.memory_space<smem>>
    memref.store %sub3A_533, %arg6[%swap3A_535] : memref<64xf32, #tpu.memory_space<smem>>
    %get3A_537 = arith.constant 54 : i32
    %get3A_538 = arith.index_cast %get3A_537 : i32 to index
    %get3A_539 = memref.load %arg4[%get3A_538] : memref<64xf32, #tpu.memory_space<smem>>
    %get3A_540 = arith.constant 54 : i32
    %get3A_541 = arith.index_cast %get3A_540 : i32 to index
    %get3A_542 = memref.load %arg5[%get3A_541] : memref<64xf32, #tpu.memory_space<smem>>
    %sub3A_543 = arith.subf %get3A_539, %get3A_542 : f32
    %swap3A_544 = arith.constant 54 : i32
    %swap3A_545 = arith.index_cast %swap3A_544 : i32 to index
    %swap3A_546 = memref.load %arg6[%swap3A_545] : memref<64xf32, #tpu.memory_space<smem>>
    memref.store %sub3A_543, %arg6[%swap3A_545] : memref<64xf32, #tpu.memory_space<smem>>
    %get3A_547 = arith.constant 55 : i32
    %get3A_548 = arith.index_cast %get3A_547 : i32 to index
    %get3A_549 = memref.load %arg4[%get3A_548] : memref<64xf32, #tpu.memory_space<smem>>
    %get3A_550 = arith.constant 55 : i32
    %get3A_551 = arith.index_cast %get3A_550 : i32 to index
    %get3A_552 = memref.load %arg5[%get3A_551] : memref<64xf32, #tpu.memory_space<smem>>
    %sub3A_553 = arith.subf %get3A_549, %get3A_552 : f32
    %swap3A_554 = arith.constant 55 : i32
    %swap3A_555 = arith.index_cast %swap3A_554 : i32 to index
    %swap3A_556 = memref.load %arg6[%swap3A_555] : memref<64xf32, #tpu.memory_space<smem>>
    memref.store %sub3A_553, %arg6[%swap3A_555] : memref<64xf32, #tpu.memory_space<smem>>
    %get3A_557 = arith.constant 56 : i32
    %get3A_558 = arith.index_cast %get3A_557 : i32 to index
    %get3A_559 = memref.load %arg4[%get3A_558] : memref<64xf32, #tpu.memory_space<smem>>
    %get3A_560 = arith.constant 56 : i32
    %get3A_561 = arith.index_cast %get3A_560 : i32 to index
    %get3A_562 = memref.load %arg5[%get3A_561] : memref<64xf32, #tpu.memory_space<smem>>
    %sub3A_563 = arith.subf %get3A_559, %get3A_562 : f32
    %swap3A_564 = arith.constant 56 : i32
    %swap3A_565 = arith.index_cast %swap3A_564 : i32 to index
    %swap3A_566 = memref.load %arg6[%swap3A_565] : memref<64xf32, #tpu.memory_space<smem>>
    memref.store %sub3A_563, %arg6[%swap3A_565] : memref<64xf32, #tpu.memory_space<smem>>
    %get3A_567 = arith.constant 57 : i32
    %get3A_568 = arith.index_cast %get3A_567 : i32 to index
    %get3A_569 = memref.load %arg4[%get3A_568] : memref<64xf32, #tpu.memory_space<smem>>
    %get3A_570 = arith.constant 57 : i32
    %get3A_571 = arith.index_cast %get3A_570 : i32 to index
    %get3A_572 = memref.load %arg5[%get3A_571] : memref<64xf32, #tpu.memory_space<smem>>
    %sub3A_573 = arith.subf %get3A_569, %get3A_572 : f32
    %swap3A_574 = arith.constant 57 : i32
    %swap3A_575 = arith.index_cast %swap3A_574 : i32 to index
    %swap3A_576 = memref.load %arg6[%swap3A_575] : memref<64xf32, #tpu.memory_space<smem>>
    memref.store %sub3A_573, %arg6[%swap3A_575] : memref<64xf32, #tpu.memory_space<smem>>
    %get3A_577 = arith.constant 58 : i32
    %get3A_578 = arith.index_cast %get3A_577 : i32 to index
    %get3A_579 = memref.load %arg4[%get3A_578] : memref<64xf32, #tpu.memory_space<smem>>
    %get3A_580 = arith.constant 58 : i32
    %get3A_581 = arith.index_cast %get3A_580 : i32 to index
    %get3A_582 = memref.load %arg5[%get3A_581] : memref<64xf32, #tpu.memory_space<smem>>
    %sub3A_583 = arith.subf %get3A_579, %get3A_582 : f32
    %swap3A_584 = arith.constant 58 : i32
    %swap3A_585 = arith.index_cast %swap3A_584 : i32 to index
    %swap3A_586 = memref.load %arg6[%swap3A_585] : memref<64xf32, #tpu.memory_space<smem>>
    memref.store %sub3A_583, %arg6[%swap3A_585] : memref<64xf32, #tpu.memory_space<smem>>
    %get3A_587 = arith.constant 59 : i32
    %get3A_588 = arith.index_cast %get3A_587 : i32 to index
    %get3A_589 = memref.load %arg4[%get3A_588] : memref<64xf32, #tpu.memory_space<smem>>
    %get3A_590 = arith.constant 59 : i32
    %get3A_591 = arith.index_cast %get3A_590 : i32 to index
    %get3A_592 = memref.load %arg5[%get3A_591] : memref<64xf32, #tpu.memory_space<smem>>
    %sub3A_593 = arith.subf %get3A_589, %get3A_592 : f32
    %swap3A_594 = arith.constant 59 : i32
    %swap3A_595 = arith.index_cast %swap3A_594 : i32 to index
    %swap3A_596 = memref.load %arg6[%swap3A_595] : memref<64xf32, #tpu.memory_space<smem>>
    memref.store %sub3A_593, %arg6[%swap3A_595] : memref<64xf32, #tpu.memory_space<smem>>
    %get3A_597 = arith.constant 60 : i32
    %get3A_598 = arith.index_cast %get3A_597 : i32 to index
    %get3A_599 = memref.load %arg4[%get3A_598] : memref<64xf32, #tpu.memory_space<smem>>
    %get3A_600 = arith.constant 60 : i32
    %get3A_601 = arith.index_cast %get3A_600 : i32 to index
    %get3A_602 = memref.load %arg5[%get3A_601] : memref<64xf32, #tpu.memory_space<smem>>
    %sub3A_603 = arith.subf %get3A_599, %get3A_602 : f32
    %swap3A_604 = arith.constant 60 : i32
    %swap3A_605 = arith.index_cast %swap3A_604 : i32 to index
    %swap3A_606 = memref.load %arg6[%swap3A_605] : memref<64xf32, #tpu.memory_space<smem>>
    memref.store %sub3A_603, %arg6[%swap3A_605] : memref<64xf32, #tpu.memory_space<smem>>
    %get3A_607 = arith.constant 61 : i32
    %get3A_608 = arith.index_cast %get3A_607 : i32 to index
    %get3A_609 = memref.load %arg4[%get3A_608] : memref<64xf32, #tpu.memory_space<smem>>
    %get3A_610 = arith.constant 61 : i32
    %get3A_611 = arith.index_cast %get3A_610 : i32 to index
    %get3A_612 = memref.load %arg5[%get3A_611] : memref<64xf32, #tpu.memory_space<smem>>
    %sub3A_613 = arith.subf %get3A_609, %get3A_612 : f32
    %swap3A_614 = arith.constant 61 : i32
    %swap3A_615 = arith.index_cast %swap3A_614 : i32 to index
    %swap3A_616 = memref.load %arg6[%swap3A_615] : memref<64xf32, #tpu.memory_space<smem>>
    memref.store %sub3A_613, %arg6[%swap3A_615] : memref<64xf32, #tpu.memory_space<smem>>
    %get3A_617 = arith.constant 62 : i32
    %get3A_618 = arith.index_cast %get3A_617 : i32 to index
    %get3A_619 = memref.load %arg4[%get3A_618] : memref<64xf32, #tpu.memory_space<smem>>
    %get3A_620 = arith.constant 62 : i32
    %get3A_621 = arith.index_cast %get3A_620 : i32 to index
    %get3A_622 = memref.load %arg5[%get3A_621] : memref<64xf32, #tpu.memory_space<smem>>
    %sub3A_623 = arith.subf %get3A_619, %get3A_622 : f32
    %swap3A_624 = arith.constant 62 : i32
    %swap3A_625 = arith.index_cast %swap3A_624 : i32 to index
    %swap3A_626 = memref.load %arg6[%swap3A_625] : memref<64xf32, #tpu.memory_space<smem>>
    memref.store %sub3A_623, %arg6[%swap3A_625] : memref<64xf32, #tpu.memory_space<smem>>
    %get3A_627 = arith.constant 63 : i32
    %get3A_628 = arith.index_cast %get3A_627 : i32 to index
    %get3A_629 = memref.load %arg4[%get3A_628] : memref<64xf32, #tpu.memory_space<smem>>
    %get3A_630 = arith.constant 63 : i32
    %get3A_631 = arith.index_cast %get3A_630 : i32 to index
    %get3A_632 = memref.load %arg5[%get3A_631] : memref<64xf32, #tpu.memory_space<smem>>
    %sub3A_633 = arith.subf %get3A_629, %get3A_632 : f32
    %swap3A_634 = arith.constant 63 : i32
    %swap3A_635 = arith.index_cast %swap3A_634 : i32 to index
    %swap3A_636 = memref.load %arg6[%swap3A_635] : memref<64xf32, #tpu.memory_space<smem>>
    memref.store %sub3A_633, %arg6[%swap3A_635] : memref<64xf32, #tpu.memory_space<smem>>
    "tpu.region"() ({
      %run_scoped3A = tpu.sem_alloc : memref<!tpu.dma_semaphore, #tpu.memory_space<semaphore_mem>>
      tpu.enqueue_dma source(%arg6 : memref<64xf32, #tpu.memory_space<smem>>) target(%arg3 : memref<64xf32, #tpu.memory_space<hbm>>) target_semaphore(%run_scoped3A : memref<!tpu.dma_semaphore, #tpu.memory_space<semaphore_mem>>)
      tpu.wait_dma2 semaphore(%run_scoped3A : memref<!tpu.dma_semaphore, #tpu.memory_space<semaphore_mem>>) src(%arg6 : memref<64xf32, #tpu.memory_space<smem>>) dst(%arg3 : memref<64xf32, #tpu.memory_space<hbm>>)
      tpu.yield
    }) : () -> ()
    return
  }
}

</mosaic_0001>

<sc_bundles>
// kernel: kernel.3.cloned.1.call-start
scs
__scs_entry_jumppad:
0x0: {  	(pc) =	sbr.rel $0x88, $3  }
0x1: {  	(tag) =	ssettag $0x0;
	lr =	simm.s32 $0x1  }
0x2: {  	[smem:$0x3F9F] =	sst lr;
	_ =	strace $0xD0000000  }
0x3: {  	_ = 	snop  }
0x4: {  	_ = 	snop  }
0x5: {  	_ = 	snop  }
0x6: {  	_ = 	snop  }
0x7: {  	_ = 	snop  }
__scs_overlays_trampoline_lowered:
0x8: {  	[smem:$0x3FAE] =	sst s0  }
0x9: {  	[smem:$0x3FAF] =	sst s1  }
0xa: {  	[smem:$0x3FB0] =	sst s2  }
0xb: {  	[smem:$0x3FB1] =	sst s3  }
0xc: {  	[smem:$0x3FB2] =	sst s4  }
0xd: {  	[smem:$0x3FB3] =	sst s5  }
0xe: {  	[smem:$0x3FB4] =	sst s6  }
0xf: {  	[smem:$0x3FB5] =	sst s7  }
0x10: {  	[smem:$0x3FB6] =	sst s8  }
0x11: {  	[smem:$0x3FB7] =	sst s9;
	s0 =	simm.s32 @!p0 $0x0  }
0x12: {  	s1 =	sld [smem:$0x3F9D];
	s0 =	simm.s32 @p0 $0x1  }
0x13: {  	[smem:$0x3FB8] =	sst s0;
	s0 =	simm.s32 @!p1 $0x0  }
0x14: {  	s2 =	sld [smem:$0x3F9C];
	s0 =	simm.s32 @p1 $0x1  }
0x15: {  	[smem:$0x3FB9] =	sst s0;
	s0 =	simm.s32 @!p2 $0x0  }
0x16: {  	s3 =	sld [smem:$0x3FDB];
	s0 =	simm.s32 @p2 $0x1  }
0x17: {  	s4 =	simm.s32 $0x1BF5;
	[smem:$0x3FBB] =	sst s0  }
0x18: {  	s0 =	sld [smem:$0x3F9E];
	_ =	swait.ge [sflag:s4], $0x0  }
0x19: {  	s7 =	sld [smem:$0x3F9F]  }
0x1a: {  	s8 =	sadd.s32 $0xFFFFE003, lr  }
0x1b: {  	s9 =	sadd.s32 $0xFFFFFEF7, lr;
	s5 =	simm.s32 $0xFFFFFFFF;
	p2 =	slt.u32 s8, $0xFFFFF086  }
0x1c: {  	p1 =	slt.u32 s9, $0xF7A;
	s5 =	simm.s32 @!p2 $0x0  }
0x1d: {  	s5 =	simm.s32 @p1 $0x1;
	p0 =	seq.s32 s7, s2  }
0x1e: {  	s7 =	smul.u32 @!p0 $0xF7A, s2;
	p2 =	seq.s32 @!p0 s5, $0x0  }
0x1f: {  	s9 =	smul.u32 $0xF7A, s1;
	s8 =	simm.s32 @!p0 $0x1BF5;
	p2 =	por !p2, p0  }
0x20: {  	[sflag:s8] =	ssyncset.s32 @!p0 $0xFFFFF086;
	s6 =	sadd.s32 @!p0 s3, s7;
	s7 =	simm.s32 @!p0 $0x108  }
0x21: {  	s3 =	sadd.s32 s3, s9;
	s6 =	sadd.s32 @!p0 $0x88, s6;
	s7 =	simm.s32 @p2 $0x1082  }
0x22: {  	[simem:s7], [sflag:s8] =	dma.local @!p0 [hbm:s6], $0xF7A  }
0x23: {  	s9 =	sor.u32 $0xD0000000, s2;
	s6 =	simm.s32 $0x108;
	_ =	swait.ge @!p0 [sflag:s8], $0x0  }
0x24: {  	s3 =	sadd.s32 $0x88, s3;
	s6 =	simm.s32 @!p1 $0x1082;
	[sflag:s4] =	ssyncset.s32 $0xFFFFF086  }
0x25: {  	[simem:s6], [sflag:s4] =	dma.local [hbm:s3], $0xF7A  }
0x26: {  	[smem:$0x3F9F] =	sst s1;
	(tag) =	ssettag s2;
	_ =	strace s9  }
0x27: {  	s1 =	sld [smem:$0x3FAF]  }
0x28: {  	s2 =	sld [smem:$0x3FB0]  }
0x29: {  	s4 =	sld [smem:$0x3FB2]  }
0x2a: {  	p0 =	seq.s32 s5, $0x0;
	s5 =	sld [smem:$0x3FB3]  }
0x2b: {  	s6 =	sld [smem:$0x3FB4]  }
0x2c: {  	s7 =	sld [smem:$0x3FB5]  }
0x2d: {  	s3 =	simm.s32 $0x108;
	s8 =	sld [smem:$0x3FB6]  }
0x2e: {  	s3 =	simm.s32 @!p0 $0x1082;
	s9 =	sld [smem:$0x3FB7]  }
0x2f: {  	lr =	sadd.s32 s0, s3;
	s0 =	sld [smem:$0x3FAE]  }
0x30: {  	s3 =	sld [smem:$0x3FB1]  }
0x31: {  	[smem:$0x3FBA] =	sst s10  }
0x32: {  	s10 =	sld [smem:$0x3FB8];
	_ =	sdelay $0x3  }
0x33: {  	p0 =	seq.s32 s10, $0x1;
	s10 =	sld [smem:$0x3FBA];
	_ =	sdelay $0x3  }
0x34: {  	[smem:$0x3FBA] =	sst s10  }
0x35: {  	s10 =	sld [smem:$0x3FB9];
	_ =	sdelay $0x3  }
0x36: {  	p1 =	seq.s32 s10, $0x1;
	s10 =	sld [smem:$0x3FBA];
	_ =	sdelay $0x3  }
0x37: {  	[smem:$0x3FBA] =	sst s10  }
0x38: {  	s10 =	sld [smem:$0x3FBB]  }
0x39: {  	_ = 	snop;
	(pc) =	sbr.ind lr, $3  }
0x3a: {  	_ = 	snop  }
0x3b: {  	_ = 	snop  }
0x3c: {  	p2 =	seq.s32 s10, $0x1;
	s10 =	sld [smem:$0x3FBA]  }
0x3d: {  	_ =	shalt  }
0x3e: {  	_ =	shalt  }
0x3f: {  	_ =	shalt  }
0x40: {  	_ =	shalt  }
0x41: {  	_ =	shalt  }
0x42: {  	_ =	shalt  }
0x43: {  	_ =	shalt  }
0x44: {  	_ =	shalt  }
0x45: {  	_ =	shalt  }
0x46: {  	_ =	shalt  }
0x47: {  	_ =	shalt  }
0x48: {  	_ =	shalt  }
0x49: {  	_ =	shalt  }
0x4a: {  	_ =	shalt  }
0x4b: {  	_ =	shalt  }
0x4c: {  	_ =	shalt  }
0x4d: {  	_ =	shalt  }
0x4e: {  	_ =	shalt  }
0x4f: {  	_ =	shalt  }
0x50: {  	_ =	shalt  }
0x51: {  	_ =	shalt  }
0x52: {  	_ =	shalt  }
0x53: {  	_ =	shalt  }
0x54: {  	_ =	shalt  }
0x55: {  	_ =	shalt  }
0x56: {  	_ =	shalt  }
0x57: {  	_ =	shalt  }
0x58: {  	_ =	shalt  }
0x59: {  	_ =	shalt  }
0x5a: {  	_ =	shalt  }
0x5b: {  	_ =	shalt  }
0x5c: {  	_ =	shalt  }
0x5d: {  	_ =	shalt  }
0x5e: {  	_ =	shalt  }
0x5f: {  	_ =	shalt  }
0x60: {  	_ =	shalt  }
0x61: {  	_ =	shalt  }
0x62: {  	_ =	shalt  }
0x63: {  	_ =	shalt  }
0x64: {  	_ =	shalt  }
0x65: {  	_ =	shalt  }
0x66: {  	_ =	shalt  }
0x67: {  	_ =	shalt  }
0x68: {  	_ =	shalt  }
0x69: {  	_ =	shalt  }
0x6a: {  	_ =	shalt  }
0x6b: {  	_ =	shalt  }
0x6c: {  	_ =	shalt  }
0x6d: {  	_ =	shalt  }
0x6e: {  	_ =	shalt  }
0x6f: {  	_ =	shalt  }
0x70: {  	_ =	shalt  }
0x71: {  	_ =	shalt  }
0x72: {  	_ =	shalt  }
0x73: {  	_ =	shalt  }
0x74: {  	_ =	shalt  }
0x75: {  	_ =	shalt  }
0x76: {  	_ =	shalt  }
0x77: {  	_ =	shalt  }
0x78: {  	_ =	shalt  }
0x79: {  	_ =	shalt  }
0x7a: {  	_ =	shalt  }
0x7b: {  	_ =	shalt  }
0x7c: {  	_ =	shalt  }
0x7d: {  	_ =	shalt  }
0x7e: {  	_ =	shalt  }
0x7f: {  	_ =	shalt  }
0x80: {  	_ =	shalt  }
0x81: {  	_ =	shalt  }
0x82: {  	_ =	shalt  }
0x83: {  	_ =	shalt  }
0x84: {  	_ =	shalt  }
0x85: {  	_ =	shalt  }
0x86: {  	_ =	shalt  }
0x87: {  	_ =	shalt  }
.Lfunc_end0:
.L_simem_size_0:
called_computation_lowered:
.L_overlay_start_0:
0x88: {  	s0 =	sld [smem:$0x3FD9]  }
0x89: {  	s1 =	sld [smem:$0x3FFE];
	_ =	sdelay $0x3  }
0x8a: {  	s0 =	sadd.s32 s1, s0  }
0x8b: {  	[smem:$0x3FC6] =	sst s0  }
0x8c: {  	_ = 	snop  }
0x8d: {  	s11 =	sld [smem:$0x3FC9]  }
0x8e: {  	s2 =	sld [smem:$0x3FC8]  }
0x8f: {  	s0 =	sld [smem:$0x3FD0];
	(tm) =	ssettm $0x1  }
0x90: {  	s3 =	sld [smem:$0x3FFB];
	_ =	sdelay $0x3  }
0x91: {  	_ =	strace s3  }
0x92: {  	s3 =	sld [smem:$0x3FFC];
	_ =	sdelay $0x3  }
0x93: {  	_ =	strace s3  }
0x94: {  	s3 =	sld [smem:$0x3FFD];
	_ =	sdelay $0x3  }
0x95: {  	_ =	strace s3  }
0x96: {  	s12 =	simm.s32 $0x1B8B;
	_ =	strace $0x8FFFFFFF  }
0x97: {  	_ =	swait.ge [sflag:s12], $0x1  }
0x98: {  	[sflag:s12] =	ssyncset.done $0x0  }
0x99: {  	s13 =	simm.s32 $0x1B8E;
	[sflag:s12] =	ssyncadd.s32 $0xFFFFFFFF  }
0x9a: {  	s14 =	simm.s32 $0x9;
	[smem:$0x3FD2] =	sst s13  }
0x9b: {  	s4 =	simm.s32 $0x10;
	s15 =	simm.s32 $0x90;
	_ =	strace $0x80000046  }
0x9c: {  	[smem:s4], [sflag:s14] =	dma.local [hbm:s11], $0x10  }
0x9d: {  	[smem:s15], [sflag:s14] =	dma.local [hbm:s2], $0x10  }
0x9e: {  	_ =	swait.ge [sflag:s14], $0x10  }
0x9f: {  	[sflag:s14] =	ssyncset.done $0x0  }
0xa0: {  	[sflag:s14] =	ssyncadd.s32 $0xFFFFFFF0;
	_ =	sdelay $0x2  }
0xa1: {  	_ =	swait.ge [sflag:s14], $0x10  }
0xa2: {  	[sflag:s14] =	ssyncset.done $0x0  }
0xa3: {  	[sflag:s14] =	ssyncadd.s32 $0xFFFFFFF0  }
0xa4: {  	s16 =	sld [smem:$0x10]  }
0xa5: {  	s17 =	sld [smem:$0x90];
	_ =	sdelay $0x3  }
0xa6: {  	s1 =	ssub.f32 s16, s17;
	_ =	sdelay $0x1  }
0xa7: {  	[smem:$0x110] =	sst s1  }
0xa8: {  	s1 =	sld [smem:$0x11]  }
0xa9: {  	s18 =	sld [smem:$0x91];
	_ =	sdelay $0x3  }
0xaa: {  	s1 =	ssub.f32 s1, s18;
	_ =	sdelay $0x1  }
0xab: {  	[smem:$0x111] =	sst s1  }
0xac: {  	s1 =	sld [smem:$0x12]  }
0xad: {  	s19 =	sld [smem:$0x92];
	_ =	sdelay $0x3  }
0xae: {  	s1 =	ssub.f32 s1, s19;
	_ =	sdelay $0x1  }
0xaf: {  	[smem:$0x112] =	sst s1  }
0xb0: {  	s1 =	sld [smem:$0x13]  }
0xb1: {  	s20 =	sld [smem:$0x93];
	_ =	sdelay $0x3  }
0xb2: {  	s1 =	ssub.f32 s1, s20;
	_ =	sdelay $0x1  }
0xb3: {  	[smem:$0x113] =	sst s1  }
0xb4: {  	s1 =	sld [smem:$0x14]  }
0xb5: {  	s21 =	sld [smem:$0x94];
	_ =	sdelay $0x3  }
0xb6: {  	s1 =	ssub.f32 s1, s21;
	_ =	sdelay $0x1  }
0xb7: {  	[smem:$0x114] =	sst s1  }
0xb8: {  	s1 =	sld [smem:$0x15]  }
0xb9: {  	s22 =	sld [smem:$0x95];
	_ =	sdelay $0x3  }
0xba: {  	s1 =	ssub.f32 s1, s22;
	_ =	sdelay $0x1  }
0xbb: {  	[smem:$0x115] =	sst s1  }
0xbc: {  	s1 =	sld [smem:$0x16]  }
0xbd: {  	s23 =	sld [smem:$0x96];
	_ =	sdelay $0x3  }
0xbe: {  	s1 =	ssub.f32 s1, s23;
	_ =	sdelay $0x1  }
0xbf: {  	[smem:$0x116] =	sst s1  }
0xc0: {  	s1 =	sld [smem:$0x17]  }
0xc1: {  	s24 =	sld [smem:$0x97];
	_ =	sdelay $0x3  }
0xc2: {  	s1 =	ssub.f32 s1, s24;
	_ =	sdelay $0x1  }
0xc3: {  	[smem:$0x117] =	sst s1  }
0xc4: {  	s1 =	sld [smem:$0x18]  }
0xc5: {  	s25 =	sld [smem:$0x98];
	_ =	sdelay $0x3  }
0xc6: {  	s1 =	ssub.f32 s1, s25;
	_ =	sdelay $0x1  }
0xc7: {  	[smem:$0x118] =	sst s1  }
0xc8: {  	s1 =	sld [smem:$0x19]  }
0xc9: {  	s26 =	sld [smem:$0x99];
	_ =	sdelay $0x3  }
0xca: {  	s1 =	ssub.f32 s1, s26;
	_ =	sdelay $0x1  }
0xcb: {  	[smem:$0x119] =	sst s1  }
0xcc: {  	s1 =	sld [smem:$0x1A]  }
0xcd: {  	s28 =	sld [smem:$0x9A];
	_ =	sdelay $0x3  }
0xce: {  	s1 =	ssub.f32 s1, s28;
	_ =	sdelay $0x1  }
0xcf: {  	[smem:$0x11A] =	sst s1  }
0xd0: {  	s1 =	sld [smem:$0x1B]  }
0xd1: {  	s29 =	sld [smem:$0x9B];
	_ =	sdelay $0x3  }
0xd2: {  	s1 =	ssub.f32 s1, s29;
	_ =	sdelay $0x1  }
0xd3: {  	[smem:$0x11B] =	sst s1  }
0xd4: {  	s1 =	sld [smem:$0x1C]  }
0xd5: {  	s30 =	sld [smem:$0x9C];
	_ =	sdelay $0x3  }
0xd6: {  	s1 =	ssub.f32 s1, s30;
	_ =	sdelay $0x1  }
0xd7: {  	[smem:$0x11C] =	sst s1  }
0xd8: {  	s1 =	sld [smem:$0x1D]  }
0xd9: {  	s31 =	sld [smem:$0x9D];
	_ =	sdelay $0x3  }
0xda: {  	s1 =	ssub.f32 s1, s31;
	_ =	sdelay $0x1  }
0xdb: {  	[smem:$0x11D] =	sst s1  }
0xdc: {  	s1 =	sld [smem:$0x1E]  }
0xdd: {  	s3 =	sld [smem:$0x9E];
	_ =	sdelay $0x3  }
0xde: {  	s1 =	ssub.f32 s1, s3;
	_ =	sdelay $0x1  }
0xdf: {  	[smem:$0x11E] =	sst s1  }
0xe0: {  	s1 =	sld [smem:$0x1F]  }
0xe1: {  	s4 =	sld [smem:$0x9F];
	_ =	sdelay $0x3  }
0xe2: {  	s1 =	ssub.f32 s1, s4;
	_ =	sdelay $0x1  }
0xe3: {  	[smem:$0x11F] =	sst s1  }
0xe4: {  	s1 =	sld [smem:$0x20]  }
0xe5: {  	s5 =	sld [smem:$0xA0];
	_ =	sdelay $0x3  }
0xe6: {  	s1 =	ssub.f32 s1, s5;
	_ =	sdelay $0x1  }
0xe7: {  	[smem:$0x120] =	sst s1  }
0xe8: {  	s1 =	sld [smem:$0x21]  }
0xe9: {  	s6 =	sld [smem:$0xA1];
	_ =	sdelay $0x3  }
0xea: {  	s1 =	ssub.f32 s1, s6;
	_ =	sdelay $0x1  }
0xeb: {  	[smem:$0x121] =	sst s1  }
0xec: {  	s1 =	sld [smem:$0x22]  }
0xed: {  	s7 =	sld [smem:$0xA2];
	_ =	sdelay $0x3  }
0xee: {  	s1 =	ssub.f32 s1, s7;
	_ =	sdelay $0x1  }
0xef: {  	[smem:$0x122] =	sst s1  }
0xf0: {  	s1 =	sld [smem:$0x23]  }
0xf1: {  	s8 =	sld [smem:$0xA3];
	_ =	sdelay $0x3  }
0xf2: {  	s1 =	ssub.f32 s1, s8;
	_ =	sdelay $0x1  }
0xf3: {  	[smem:$0x123] =	sst s1  }
0xf4: {  	s1 =	sld [smem:$0x24]  }
0xf5: {  	s9 =	sld [smem:$0xA4];
	_ =	sdelay $0x3  }
0xf6: {  	s1 =	ssub.f32 s1, s9;
	_ =	sdelay $0x1  }
0xf7: {  	[smem:$0x124] =	sst s1  }
0xf8: {  	s1 =	sld [smem:$0x25]  }
0xf9: {  	s10 =	sld [smem:$0xA5];
	_ =	sdelay $0x3  }
0xfa: {  	s1 =	ssub.f32 s1, s10;
	_ =	sdelay $0x1  }
0xfb: {  	[smem:$0x125] =	sst s1  }
0xfc: {  	s1 =	sld [smem:$0x26]  }
0xfd: {  	s11 =	sld [smem:$0xA6];
	_ =	sdelay $0x3  }
0xfe: {  	s1 =	ssub.f32 s1, s11;
	_ =	sdelay $0x1  }
0xff: {  	[smem:$0x126] =	sst s1  }
0x100: {  	s1 =	sld [smem:$0x27]  }
0x101: {  	s12 =	sld [smem:$0xA7];
	_ =	sdelay $0x3  }
0x102: {  	s1 =	ssub.f32 s1, s12;
	_ =	sdelay $0x1  }
0x103: {  	[smem:$0x127] =	sst s1  }
0x104: {  	s1 =	sld [smem:$0x28]  }
0x105: {  	s13 =	sld [smem:$0xA8];
	_ =	sdelay $0x3  }
0x106: {  	s1 =	ssub.f32 s1, s13;
	_ =	sdelay $0x1  }
0x107: {  	[smem:$0x128] =	sst s1  }
0x108: {  	s1 =	sld [smem:$0x29]  }
0x109: {  	s14 =	sld [smem:$0xA9];
	_ =	sdelay $0x3  }
0x10a: {  	s1 =	ssub.f32 s1, s14;
	_ =	sdelay $0x1  }
0x10b: {  	[smem:$0x129] =	sst s1  }
0x10c: {  	s1 =	sld [smem:$0x2A]  }
0x10d: {  	s15 =	sld [smem:$0xAA];
	_ =	sdelay $0x3  }
0x10e: {  	s1 =	ssub.f32 s1, s15;
	_ =	sdelay $0x1  }
0x10f: {  	[smem:$0x12A] =	sst s1  }
0x110: {  	s1 =	sld [smem:$0x2B]  }
0x111: {  	s16 =	sld [smem:$0xAB];
	_ =	sdelay $0x3  }
0x112: {  	s1 =	ssub.f32 s1, s16;
	_ =	sdelay $0x1  }
0x113: {  	[smem:$0x12B] =	sst s1  }
0x114: {  	s1 =	sld [smem:$0x2C]  }
0x115: {  	s17 =	sld [smem:$0xAC];
	_ =	sdelay $0x3  }
0x116: {  	s1 =	ssub.f32 s1, s17;
	_ =	sdelay $0x1  }
0x117: {  	[smem:$0x12C] =	sst s1  }
0x118: {  	s1 =	sld [smem:$0x2D]  }
0x119: {  	s18 =	sld [smem:$0xAD];
	_ =	sdelay $0x3  }
0x11a: {  	s1 =	ssub.f32 s1, s18;
	_ =	sdelay $0x1  }
0x11b: {  	[smem:$0x12D] =	sst s1  }
0x11c: {  	s1 =	sld [smem:$0x2E]  }
0x11d: {  	s19 =	sld [smem:$0xAE];
	_ =	sdelay $0x3  }
0x11e: {  	s1 =	ssub.f32 s1, s19;
	_ =	sdelay $0x1  }
0x11f: {  	[smem:$0x12E] =	sst s1  }
0x120: {  	s1 =	sld [smem:$0x2F]  }
0x121: {  	s20 =	sld [smem:$0xAF];
	_ =	sdelay $0x3  }
0x122: {  	s1 =	ssub.f32 s1, s20;
	_ =	sdelay $0x1  }
0x123: {  	[smem:$0x12F] =	sst s1  }
0x124: {  	s1 =	sld [smem:$0x30]  }
0x125: {  	s21 =	sld [smem:$0xB0];
	_ =	sdelay $0x3  }
0x126: {  	s1 =	ssub.f32 s1, s21;
	_ =	sdelay $0x1  }
0x127: {  	[smem:$0x130] =	sst s1  }
0x128: {  	s1 =	sld [smem:$0x31]  }
0x129: {  	s22 =	sld [smem:$0xB1];
	_ =	sdelay $0x3  }
0x12a: {  	s1 =	ssub.f32 s1, s22;
	_ =	sdelay $0x1  }
0x12b: {  	[smem:$0x131] =	sst s1  }
0x12c: {  	s1 =	sld [smem:$0x32]  }
0x12d: {  	s23 =	sld [smem:$0xB2];
	_ =	sdelay $0x3  }
0x12e: {  	s1 =	ssub.f32 s1, s23;
	_ =	sdelay $0x1  }
0x12f: {  	[smem:$0x132] =	sst s1  }
0x130: {  	s1 =	sld [smem:$0x33]  }
0x131: {  	s24 =	sld [smem:$0xB3];
	_ =	sdelay $0x3  }
0x132: {  	s1 =	ssub.f32 s1, s24;
	_ =	sdelay $0x1  }
0x133: {  	[smem:$0x133] =	sst s1  }
0x134: {  	s1 =	sld [smem:$0x34]  }
0x135: {  	s25 =	sld [smem:$0xB4];
	_ =	sdelay $0x3  }
0x136: {  	s1 =	ssub.f32 s1, s25;
	_ =	sdelay $0x1  }
0x137: {  	[smem:$0x134] =	sst s1  }
0x138: {  	s1 =	sld [smem:$0x35]  }
0x139: {  	s26 =	sld [smem:$0xB5];
	_ =	sdelay $0x3  }
0x13a: {  	s1 =	ssub.f32 s1, s26;
	_ =	sdelay $0x1  }
0x13b: {  	[smem:$0x135] =	sst s1  }
0x13c: {  	s1 =	sld [smem:$0x36]  }
0x13d: {  	s28 =	sld [smem:$0xB6];
	_ =	sdelay $0x3  }
0x13e: {  	s1 =	ssub.f32 s1, s28;
	_ =	sdelay $0x1  }
0x13f: {  	[smem:$0x136] =	sst s1  }
0x140: {  	s1 =	sld [smem:$0x37]  }
0x141: {  	s29 =	sld [smem:$0xB7];
	_ =	sdelay $0x3  }
0x142: {  	s1 =	ssub.f32 s1, s29;
	_ =	sdelay $0x1  }
0x143: {  	[smem:$0x137] =	sst s1  }
0x144: {  	s1 =	sld [smem:$0x38]  }
0x145: {  	s30 =	sld [smem:$0xB8];
	_ =	sdelay $0x3  }
0x146: {  	s1 =	ssub.f32 s1, s30;
	_ =	sdelay $0x1  }
0x147: {  	[smem:$0x138] =	sst s1  }
0x148: {  	s1 =	sld [smem:$0x39]  }
0x149: {  	s31 =	sld [smem:$0xB9];
	_ =	sdelay $0x3  }
0x14a: {  	s1 =	ssub.f32 s1, s31;
	_ =	sdelay $0x1  }
0x14b: {  	[smem:$0x139] =	sst s1  }
0x14c: {  	s1 =	sld [smem:$0x3A]  }
0x14d: {  	s3 =	sld [smem:$0xBA];
	_ =	sdelay $0x3  }
0x14e: {  	s1 =	ssub.f32 s1, s3;
	_ =	sdelay $0x1  }
0x14f: {  	[smem:$0x13A] =	sst s1  }
0x150: {  	s1 =	sld [smem:$0x3B]  }
0x151: {  	s4 =	sld [smem:$0xBB];
	_ =	sdelay $0x3  }
0x152: {  	s1 =	ssub.f32 s1, s4;
	_ =	sdelay $0x1  }
0x153: {  	[smem:$0x13B] =	sst s1  }
0x154: {  	s1 =	sld [smem:$0x3C]  }
0x155: {  	s5 =	sld [smem:$0xBC];
	_ =	sdelay $0x3  }
0x156: {  	s1 =	ssub.f32 s1, s5;
	_ =	sdelay $0x1  }
0x157: {  	[smem:$0x13C] =	sst s1  }
0x158: {  	s1 =	sld [smem:$0x3D]  }
0x159: {  	s6 =	sld [smem:$0xBD];
	_ =	sdelay $0x3  }
0x15a: {  	s1 =	ssub.f32 s1, s6;
	_ =	sdelay $0x1  }
0x15b: {  	[smem:$0x13D] =	sst s1  }
0x15c: {  	s1 =	sld [smem:$0x3E]  }
0x15d: {  	s7 =	sld [smem:$0xBE];
	_ =	sdelay $0x3  }
0x15e: {  	s1 =	ssub.f32 s1, s7;
	_ =	sdelay $0x1  }
0x15f: {  	[smem:$0x13E] =	sst s1  }
0x160: {  	s1 =	sld [smem:$0x3F]  }
0x161: {  	s8 =	sld [smem:$0xBF];
	_ =	sdelay $0x3  }
0x162: {  	s1 =	ssub.f32 s1, s8;
	_ =	sdelay $0x1  }
0x163: {  	[smem:$0x13F] =	sst s1  }
0x164: {  	s1 =	sld [smem:$0x40]  }
0x165: {  	s9 =	sld [smem:$0xC0];
	_ =	sdelay $0x3  }
0x166: {  	s1 =	ssub.f32 s1, s9;
	_ =	sdelay $0x1  }
0x167: {  	[smem:$0x140] =	sst s1  }
0x168: {  	s1 =	sld [smem:$0x41]  }
0x169: {  	s10 =	sld [smem:$0xC1];
	_ =	sdelay $0x3  }
0x16a: {  	s1 =	ssub.f32 s1, s10;
	_ =	sdelay $0x1  }
0x16b: {  	[smem:$0x141] =	sst s1  }
0x16c: {  	s1 =	sld [smem:$0x42]  }
0x16d: {  	s11 =	sld [smem:$0xC2];
	_ =	sdelay $0x3  }
0x16e: {  	s1 =	ssub.f32 s1, s11;
	_ =	sdelay $0x1  }
0x16f: {  	[smem:$0x142] =	sst s1  }
0x170: {  	s1 =	sld [smem:$0x43]  }
0x171: {  	s12 =	sld [smem:$0xC3];
	_ =	sdelay $0x3  }
0x172: {  	s1 =	ssub.f32 s1, s12;
	_ =	sdelay $0x1  }
0x173: {  	[smem:$0x143] =	sst s1  }
0x174: {  	s1 =	sld [smem:$0x44]  }
0x175: {  	s13 =	sld [smem:$0xC4];
	_ =	sdelay $0x3  }
0x176: {  	s1 =	ssub.f32 s1, s13;
	_ =	sdelay $0x1  }
0x177: {  	[smem:$0x144] =	sst s1  }
0x178: {  	s1 =	sld [smem:$0x45]  }
0x179: {  	s14 =	sld [smem:$0xC5];
	_ =	sdelay $0x3  }
0x17a: {  	s1 =	ssub.f32 s1, s14;
	_ =	sdelay $0x1  }
0x17b: {  	[smem:$0x145] =	sst s1  }
0x17c: {  	s1 =	sld [smem:$0x46]  }
0x17d: {  	s15 =	sld [smem:$0xC6];
	_ =	sdelay $0x3  }
0x17e: {  	s1 =	ssub.f32 s1, s15;
	_ =	sdelay $0x1  }
0x17f: {  	[smem:$0x146] =	sst s1  }
0x180: {  	s1 =	sld [smem:$0x47]  }
0x181: {  	s16 =	sld [smem:$0xC7];
	_ =	sdelay $0x3  }
0x182: {  	s1 =	ssub.f32 s1, s16;
	_ =	sdelay $0x1  }
0x183: {  	[smem:$0x147] =	sst s1  }
0x184: {  	s1 =	sld [smem:$0x48]  }
0x185: {  	s17 =	sld [smem:$0xC8];
	_ =	sdelay $0x3  }
0x186: {  	s1 =	ssub.f32 s1, s17;
	_ =	sdelay $0x1  }
0x187: {  	[smem:$0x148] =	sst s1  }
0x188: {  	s1 =	sld [smem:$0x49]  }
0x189: {  	s18 =	sld [smem:$0xC9];
	_ =	sdelay $0x3  }
0x18a: {  	s1 =	ssub.f32 s1, s18;
	_ =	sdelay $0x1  }
0x18b: {  	[smem:$0x149] =	sst s1  }
0x18c: {  	s1 =	sld [smem:$0x4A]  }
0x18d: {  	s19 =	sld [smem:$0xCA];
	_ =	sdelay $0x3  }
0x18e: {  	s1 =	ssub.f32 s1, s19;
	_ =	sdelay $0x1  }
0x18f: {  	[smem:$0x14A] =	sst s1  }
0x190: {  	s1 =	sld [smem:$0x4B]  }
0x191: {  	s20 =	sld [smem:$0xCB];
	_ =	sdelay $0x3  }
0x192: {  	s1 =	ssub.f32 s1, s20;
	_ =	sdelay $0x1  }
0x193: {  	[smem:$0x14B] =	sst s1  }
0x194: {  	s1 =	sld [smem:$0x4C]  }
0x195: {  	s21 =	sld [smem:$0xCC];
	_ =	sdelay $0x3  }
0x196: {  	s1 =	ssub.f32 s1, s21;
	_ =	sdelay $0x1  }
0x197: {  	[smem:$0x14C] =	sst s1  }
0x198: {  	s1 =	sld [smem:$0x4D]  }
0x199: {  	s22 =	sld [smem:$0xCD];
	_ =	sdelay $0x3  }
0x19a: {  	s1 =	ssub.f32 s1, s22;
	_ =	sdelay $0x1  }
0x19b: {  	[smem:$0x14D] =	sst s1  }
0x19c: {  	s1 =	sld [smem:$0x4E]  }
0x19d: {  	s23 =	sld [smem:$0xCE];
	_ =	sdelay $0x3  }
0x19e: {  	s1 =	ssub.f32 s1, s23;
	_ =	sdelay $0x1  }
0x19f: {  	[smem:$0x14E] =	sst s1  }
0x1a0: {  	s1 =	sld [smem:$0x4F]  }
0x1a1: {  	s24 =	sld [smem:$0xCF];
	_ =	sdelay $0x3  }
0x1a2: {  	s1 =	ssub.f32 s1, s24;
	_ =	sdelay $0x1  }
0x1a3: {  	s25 =	simm.s32 $0x110;
	s26 =	simm.s32 $0xA;
	[smem:$0x14F] =	sst s1  }
0x1a4: {  	[hbm:s0], [sflag:s26] =	dma.local [smem:s25], $0x10  }
0x1a5: {  	_ =	swait.ge [sflag:s26], $0x10  }
0x1a6: {  	[sflag:s26] =	ssyncset.done $0x0  }
0x1a7: {  	[sflag:s26] =	ssyncadd.s32 $0xFFFFFFF0  }
0x1a8: {  	_ =	strace $0x90000046  }
0x1a9: {  	_ =	sfence  }
0x1aa: {  	s28 =	sld [smem:$0x0];
	_ =	sdelay $0x1  }
0x1ab: {  	s29 =	srdreg.scid  }
0x1ac: {  	s30 =	sshll.u32 s29, $0xD;
	s31 =	sshrl.u32 s29, $0x2  }
0x1ad: {  	s2 =	sand.u32 $0x4000, s30;
	s1 =	sand.u32 $0x1, s29;
	s0 =	sadd.s32 s31, s28  }
0x1ae: {  	s1 =	sor.u32 s2, s1;
	s0 =	sshll.u32 s0, $0x11  }
0x1af: {  	s0 =	sor.u32 s0, s1  }
0x1b0: {  	s0 =	sadd.s32 $0x8F2B, s0;
	(pc) =	sbr.abs _section_cstart, $3  }
0x1b1: {  	[sflag:s0] =	ssyncadd.remote.s32 $0x1  }
0x1b2: {  	_ =	strace $0x9FFFFFFF  }
0x1b3: {  	(tm) =	ssettm $0x7FFFFFFF  }

</sc_bundles>
